<compile_context>
chip_gen: v7x
topology: tpu7x:2x2x1
jax: 0.10.2.dev20260603
libtpu: 0.0.44.dev20260713+nightly
codegen_flags: <defaults>
</compile_context>

<pallas_src>
import functools

import jax
import jax.numpy as jnp
from jax import lax
from jax.experimental import pallas as pl
from jax.experimental.pallas import tpu as pltpu
from jax.experimental.pallas import tpu_sc as plsc

D_MODEL = 128
NUM_WORKERS = 32
B_CHUNK = 8


def _gather_sc(idx3, table, b, s, s_pad):
    per_w = b // NUM_WORKERS
    n_sc = per_w // B_CHUNK
    mesh = plsc.VectorSubcoreMesh(core_axis_name="c", subcore_axis_name="s")

    @functools.partial(
        pl.kernel,
        mesh=mesh,
        out_type=jax.ShapeDtypeStruct((b, s, D_MODEL), jnp.float32),
        scratch_types=[
            pltpu.VMEM((per_w, s_pad), jnp.int32),
            pltpu.VMEM((2, B_CHUNK, s, D_MODEL), jnp.float32),
            pltpu.SemaphoreType.DMA,
            pltpu.SemaphoreType.DMA,
        ],
    )
    def k(idx_hbm, table_hbm, out_hbm, idx_v, rows_v, gsem, wsem):
        wid = lax.axis_index("s") * 2 + lax.axis_index("c")
        b0w = wid * per_w
        pltpu.sync_copy(idx_hbm.at[wid], idx_v)

        def gathers(j, buf):
            for i in range(B_CHUNK):
                pltpu.async_copy(
                    table_hbm.at[idx_v.at[j * B_CHUNK + i, pl.ds(0, s)]],
                    rows_v.at[buf, i], gsem)

        def gwait(buf):
            pltpu.make_async_copy(
                out_hbm.at[pl.ds(0, B_CHUNK)], rows_v.at[buf], gsem).wait()

        def write(j, buf):
            pltpu.async_copy(
                rows_v.at[buf], out_hbm.at[pl.ds(b0w + j * B_CHUNK, B_CHUNK)],
                wsem)

        def wwait(buf):
            pltpu.make_async_copy(
                rows_v.at[buf], out_hbm.at[pl.ds(b0w, B_CHUNK)], wsem).wait()

        gathers(0, 0)

        def body(j, carry):
            buf = lax.rem(j, 2)
            gwait(buf)

            @pl.when(j >= 1)
            def _():
                wwait(1 - buf)

            @pl.when(j + 1 < n_sc)
            def _():
                gathers(j + 1, 1 - buf)

            write(j, buf)
            return carry

        lax.fori_loop(0, n_sc, body, 0)
        wwait(lax.rem(n_sc - 1, 2))

    return k(idx3, table)


def kernel(indices, embedding):
    b, s = indices.shape
    s_pad = (s + 7) // 8 * 8
    idx = indices.astype(jnp.int32)
    idx = jnp.pad(idx, ((0, 0), (0, s_pad - s)))
    idx3 = idx.reshape(NUM_WORKERS, b // NUM_WORKERS, s_pad)
    return _gather_sc(idx3, embedding, b, s, s_pad)

# --- scband reference (transcript-rebuilt; emitter-appended) ---
"""Pipeline reference for scband-mask-embedding-28338194219120 (READ-ONLY COPY).

The authoritative reference and input builder live on the scoring server;
editing this copy changes nothing except your own understanding.
"""

import jax, jax.numpy as jnp
import numpy as np

MAX_N_SPANS = 1000
D_MODEL = 128

def setup_inputs(seed: int = 0) -> dict:
    key = jax.random.key(seed)
    k1, k2 = jax.random.split(key)
    indices = jax.random.randint(k1, (4096, 50), 0, MAX_N_SPANS, dtype=jnp.int64 if jax.config.jax_enable_x64 else jnp.int32)
    embedding = jax.random.normal(k2, (MAX_N_SPANS, D_MODEL), dtype=jnp.float32)
    return {"indices": indices, "embedding": embedding}

def reference(indices, embedding):
    # Faithful translation of F.embedding(indices, self.embedding)
    return jnp.take(embedding, indices, axis=0)

if __name__ == "__main__":
    import jax
    _d = setup_inputs()
    print(jax.jit(kernel)(*tuple(_d.values())))

</pallas_src>

<mosaic_0001>
#map = affine_map<(d0, d1) -> (0, 0, 0)>
#map1 = affine_map<(d0, d1) -> (0, 0)>
module attributes {stable_mosaic.version = 14 : i64} {
  func.func @k(%arg0: i32, %arg1: i32, %arg2: memref<32x128x56xi32, #tpu.memory_space<hbm>>, %arg3: memref<1000x128xf32, #tpu.memory_space<hbm>>, %arg4: memref<4096x50x128xf32, #tpu.memory_space<hbm>>, %arg5: memref<128x56xi32, #tpu.memory_space<vmem>>, %arg6: memref<2x8x50x128xf32, #tpu.memory_space<vmem>>, %arg7: memref<!tpu.dma_semaphore, #tpu.memory_space<semaphore_mem>>, %arg8: memref<!tpu.dma_semaphore, #tpu.memory_space<semaphore_mem>>) attributes {dimension_semantics = [#tpu.dimension_semantics<core_parallel>, #tpu.dimension_semantics<subcore_parallel>], iteration_bounds = array<i64: 2, 16>, scalar_prefetch = 0 : i64, scratch_operands = 4 : i64, tpu.core_type = #tpu.core_type<sc_vector_subcore>, window_params = [{transform_indices = #map}, {transform_indices = #map1}, {transform_indices = #map}]} {
    %mul3A = arith.constant 2 : i32
    %mul3A_0 = arith.muli %arg1, %mul3A : i32
    %add3A = arith.addi %mul3A_0, %arg0 : i32
    %mul3A_1 = arith.constant 128 : i32
    %mul3A_2 = arith.muli %add3A, %mul3A_1 : i32
    "tpu.region"() ({
      %run_scoped3A = tpu.sem_alloc : memref<!tpu.dma_semaphore, #tpu.memory_space<semaphore_mem>>
      %dma_start3A_128 = arith.constant 0 : i32
      %dma_start3A_129 = arith.constant 0 : i32
      %dma_start3A_130 = tpu.memref_slice %arg2[%add3A, %dma_start3A_128, %dma_start3A_129] : memref<32x128x56xi32, #tpu.memory_space<hbm>> -> memref<1x128x56xi32, #tpu.memory_space<hbm>>
      %dma_start3A_131 = tpu.memref_squeeze %dma_start3A_130 : memref<1x128x56xi32, #tpu.memory_space<hbm>> -> memref<128x56xi32, #tpu.memory_space<hbm>>
      %dma_start3A_132 = arith.constant 0 : i32
      %dma_start3A_133 = arith.constant 0 : i32
      %dma_start3A_134 = tpu.memref_slice %arg2[%add3A, %dma_start3A_132, %dma_start3A_133] : memref<32x128x56xi32, #tpu.memory_space<hbm>> -> memref<1x128x56xi32, #tpu.memory_space<hbm>>
      %dma_start3A_135 = tpu.memref_squeeze %dma_start3A_134 : memref<1x128x56xi32, #tpu.memory_space<hbm>> -> memref<128x56xi32, #tpu.memory_space<hbm>>
      tpu.enqueue_dma source(%dma_start3A_135 : memref<128x56xi32, #tpu.memory_space<hbm>>) target(%arg5 : memref<128x56xi32, #tpu.memory_space<vmem>>) target_semaphore(%run_scoped3A : memref<!tpu.dma_semaphore, #tpu.memory_space<semaphore_mem>>)
      %dma_wait3A_136 = arith.constant 0 : i32
      %dma_wait3A_137 = arith.constant 0 : i32
      %dma_wait3A_138 = tpu.memref_slice %arg2[%add3A, %dma_wait3A_136, %dma_wait3A_137] : memref<32x128x56xi32, #tpu.memory_space<hbm>> -> memref<1x128x56xi32, #tpu.memory_space<hbm>>
      %dma_wait3A_139 = tpu.memref_squeeze %dma_wait3A_138 : memref<1x128x56xi32, #tpu.memory_space<hbm>> -> memref<128x56xi32, #tpu.memory_space<hbm>>
      %dma_wait3A_140 = arith.constant 0 : i32
      %dma_wait3A_141 = arith.constant 0 : i32
      %dma_wait3A_142 = tpu.memref_slice %arg2[%add3A, %dma_wait3A_140, %dma_wait3A_141] : memref<32x128x56xi32, #tpu.memory_space<hbm>> -> memref<1x128x56xi32, #tpu.memory_space<hbm>>
      %dma_wait3A_143 = tpu.memref_squeeze %dma_wait3A_142 : memref<1x128x56xi32, #tpu.memory_space<hbm>> -> memref<128x56xi32, #tpu.memory_space<hbm>>
      tpu.wait_dma2 semaphore(%run_scoped3A : memref<!tpu.dma_semaphore, #tpu.memory_space<semaphore_mem>>) src(%dma_wait3A_143 : memref<128x56xi32, #tpu.memory_space<hbm>>) dst(%arg5 : memref<128x56xi32, #tpu.memory_space<vmem>>)
      tpu.yield
    }) : () -> ()
    %dma_start3A = arith.constant 0 : i32
    %dma_start3A_3 = arith.constant 0 : i32
    %dma_start3A_4 = arith.constant 0 : i32
    %dma_start3A_5 = arith.constant 0 : i32
    %dma_start3A_6 = arith.constant 0 : i32
    %dma_start3A_7 = tpu.memref_slice %arg6[%dma_start3A_3, %dma_start3A_4, %dma_start3A_5, %dma_start3A_6] : memref<2x8x50x128xf32, #tpu.memory_space<vmem>> -> memref<1x1x50x128xf32, #tpu.memory_space<vmem>>
    %dma_start3A_8 = tpu.memref_squeeze %dma_start3A_7 : memref<1x1x50x128xf32, #tpu.memory_space<vmem>> -> memref<50x128xf32, #tpu.memory_space<vmem>>
    %dma_start3A_9 = arith.constant 0 : i32
    %dma_start3A_10 = tpu.memref_slice %arg5[%dma_start3A, %dma_start3A_9] : memref<128x56xi32, #tpu.memory_space<vmem>> -> memref<1x50xi32, #tpu.memory_space<vmem>>
    %dma_start3A_11 = tpu.memref_squeeze %dma_start3A_10 : memref<1x50xi32, #tpu.memory_space<vmem>> -> memref<50xi32, #tpu.memory_space<vmem>>
    %dma_start3A_12 = arith.constant 0 : i32
    %dma_start3A_13 = arith.constant 0 : i32
    %dma_start3A_14 = tpu.memref_slice %arg3[%dma_start3A_12, %dma_start3A_13] : memref<1000x128xf32, #tpu.memory_space<hbm>> -> memref<1000x128xf32, #tpu.memory_space<hbm>>
    tpu.enqueue_indirect_dma source(%dma_start3A_14 : memref<1000x128xf32, #tpu.memory_space<hbm>>) target(%dma_start3A_8 : memref<50x128xf32, #tpu.memory_space<vmem>>) offsets(%dma_start3A_11 : memref<50xi32, #tpu.memory_space<vmem>>) semaphore(%arg7 : memref<!tpu.dma_semaphore, #tpu.memory_space<semaphore_mem>>)
    %dma_start3A_15 = arith.constant 1 : i32
    %dma_start3A_16 = arith.constant 0 : i32
    %dma_start3A_17 = arith.constant 1 : i32
    %dma_start3A_18 = arith.constant 0 : i32
    %dma_start3A_19 = arith.constant 0 : i32
    %dma_start3A_20 = tpu.memref_slice %arg6[%dma_start3A_16, %dma_start3A_17, %dma_start3A_18, %dma_start3A_19] : memref<2x8x50x128xf32, #tpu.memory_space<vmem>> -> memref<1x1x50x128xf32, #tpu.memory_space<vmem>>
    %dma_start3A_21 = tpu.memref_squeeze %dma_start3A_20 : memref<1x1x50x128xf32, #tpu.memory_space<vmem>> -> memref<50x128xf32, #tpu.memory_space<vmem>>
    %dma_start3A_22 = arith.constant 0 : i32
    %dma_start3A_23 = tpu.memref_slice %arg5[%dma_start3A_15, %dma_start3A_22] : memref<128x56xi32, #tpu.memory_space<vmem>> -> memref<1x50xi32, #tpu.memory_space<vmem>>
    %dma_start3A_24 = tpu.memref_squeeze %dma_start3A_23 : memref<1x50xi32, #tpu.memory_space<vmem>> -> memref<50xi32, #tpu.memory_space<vmem>>
    %dma_start3A_25 = arith.constant 0 : i32
    %dma_start3A_26 = arith.constant 0 : i32
    %dma_start3A_27 = tpu.memref_slice %arg3[%dma_start3A_25, %dma_start3A_26] : memref<1000x128xf32, #tpu.memory_space<hbm>> -> memref<1000x128xf32, #tpu.memory_space<hbm>>
    tpu.enqueue_indirect_dma source(%dma_start3A_27 : memref<1000x128xf32, #tpu.memory_space<hbm>>) target(%dma_start3A_21 : memref<50x128xf32, #tpu.memory_space<vmem>>) offsets(%dma_start3A_24 : memref<50xi32, #tpu.memory_space<vmem>>) semaphore(%arg7 : memref<!tpu.dma_semaphore, #tpu.memory_space<semaphore_mem>>)
    %dma_start3A_28 = arith.constant 2 : i32
    %dma_start3A_29 = arith.constant 0 : i32
    %dma_start3A_30 = arith.constant 2 : i32
    %dma_start3A_31 = arith.constant 0 : i32
    %dma_start3A_32 = arith.constant 0 : i32
    %dma_start3A_33 = tpu.memref_slice %arg6[%dma_start3A_29, %dma_start3A_30, %dma_start3A_31, %dma_start3A_32] : memref<2x8x50x128xf32, #tpu.memory_space<vmem>> -> memref<1x1x50x128xf32, #tpu.memory_space<vmem>>
    %dma_start3A_34 = tpu.memref_squeeze %dma_start3A_33 : memref<1x1x50x128xf32, #tpu.memory_space<vmem>> -> memref<50x128xf32, #tpu.memory_space<vmem>>
    %dma_start3A_35 = arith.constant 0 : i32
    %dma_start3A_36 = tpu.memref_slice %arg5[%dma_start3A_28, %dma_start3A_35] : memref<128x56xi32, #tpu.memory_space<vmem>> -> memref<1x50xi32, #tpu.memory_space<vmem>>
    %dma_start3A_37 = tpu.memref_squeeze %dma_start3A_36 : memref<1x50xi32, #tpu.memory_space<vmem>> -> memref<50xi32, #tpu.memory_space<vmem>>
    %dma_start3A_38 = arith.constant 0 : i32
    %dma_start3A_39 = arith.constant 0 : i32
    %dma_start3A_40 = tpu.memref_slice %arg3[%dma_start3A_38, %dma_start3A_39] : memref<1000x128xf32, #tpu.memory_space<hbm>> -> memref<1000x128xf32, #tpu.memory_space<hbm>>
    tpu.enqueue_indirect_dma source(%dma_start3A_40 : memref<1000x128xf32, #tpu.memory_space<hbm>>) target(%dma_start3A_34 : memref<50x128xf32, #tpu.memory_space<vmem>>) offsets(%dma_start3A_37 : memref<50xi32, #tpu.memory_space<vmem>>) semaphore(%arg7 : memref<!tpu.dma_semaphore, #tpu.memory_space<semaphore_mem>>)
    %dma_start3A_41 = arith.constant 3 : i32
    %dma_start3A_42 = arith.constant 0 : i32
    %dma_start3A_43 = arith.constant 3 : i32
    %dma_start3A_44 = arith.constant 0 : i32
    %dma_start3A_45 = arith.constant 0 : i32
    %dma_start3A_46 = tpu.memref_slice %arg6[%dma_start3A_42, %dma_start3A_43, %dma_start3A_44, %dma_start3A_45] : memref<2x8x50x128xf32, #tpu.memory_space<vmem>> -> memref<1x1x50x128xf32, #tpu.memory_space<vmem>>
    %dma_start3A_47 = tpu.memref_squeeze %dma_start3A_46 : memref<1x1x50x128xf32, #tpu.memory_space<vmem>> -> memref<50x128xf32, #tpu.memory_space<vmem>>
    %dma_start3A_48 = arith.constant 0 : i32
    %dma_start3A_49 = tpu.memref_slice %arg5[%dma_start3A_41, %dma_start3A_48] : memref<128x56xi32, #tpu.memory_space<vmem>> -> memref<1x50xi32, #tpu.memory_space<vmem>>
    %dma_start3A_50 = tpu.memref_squeeze %dma_start3A_49 : memref<1x50xi32, #tpu.memory_space<vmem>> -> memref<50xi32, #tpu.memory_space<vmem>>
    %dma_start3A_51 = arith.constant 0 : i32
    %dma_start3A_52 = arith.constant 0 : i32
    %dma_start3A_53 = tpu.memref_slice %arg3[%dma_start3A_51, %dma_start3A_52] : memref<1000x128xf32, #tpu.memory_space<hbm>> -> memref<1000x128xf32, #tpu.memory_space<hbm>>
    tpu.enqueue_indirect_dma source(%dma_start3A_53 : memref<1000x128xf32, #tpu.memory_space<hbm>>) target(%dma_start3A_47 : memref<50x128xf32, #tpu.memory_space<vmem>>) offsets(%dma_start3A_50 : memref<50xi32, #tpu.memory_space<vmem>>) semaphore(%arg7 : memref<!tpu.dma_semaphore, #tpu.memory_space<semaphore_mem>>)
    %dma_start3A_54 = arith.constant 4 : i32
    %dma_start3A_55 = arith.constant 0 : i32
    %dma_start3A_56 = arith.constant 4 : i32
    %dma_start3A_57 = arith.constant 0 : i32
    %dma_start3A_58 = arith.constant 0 : i32
    %dma_start3A_59 = tpu.memref_slice %arg6[%dma_start3A_55, %dma_start3A_56, %dma_start3A_57, %dma_start3A_58] : memref<2x8x50x128xf32, #tpu.memory_space<vmem>> -> memref<1x1x50x128xf32, #tpu.memory_space<vmem>>
    %dma_start3A_60 = tpu.memref_squeeze %dma_start3A_59 : memref<1x1x50x128xf32, #tpu.memory_space<vmem>> -> memref<50x128xf32, #tpu.memory_space<vmem>>
    %dma_start3A_61 = arith.constant 0 : i32
    %dma_start3A_62 = tpu.memref_slice %arg5[%dma_start3A_54, %dma_start3A_61] : memref<128x56xi32, #tpu.memory_space<vmem>> -> memref<1x50xi32, #tpu.memory_space<vmem>>
    %dma_start3A_63 = tpu.memref_squeeze %dma_start3A_62 : memref<1x50xi32, #tpu.memory_space<vmem>> -> memref<50xi32, #tpu.memory_space<vmem>>
    %dma_start3A_64 = arith.constant 0 : i32
    %dma_start3A_65 = arith.constant 0 : i32
    %dma_start3A_66 = tpu.memref_slice %arg3[%dma_start3A_64, %dma_start3A_65] : memref<1000x128xf32, #tpu.memory_space<hbm>> -> memref<1000x128xf32, #tpu.memory_space<hbm>>
    tpu.enqueue_indirect_dma source(%dma_start3A_66 : memref<1000x128xf32, #tpu.memory_space<hbm>>) target(%dma_start3A_60 : memref<50x128xf32, #tpu.memory_space<vmem>>) offsets(%dma_start3A_63 : memref<50xi32, #tpu.memory_space<vmem>>) semaphore(%arg7 : memref<!tpu.dma_semaphore, #tpu.memory_space<semaphore_mem>>)
    %dma_start3A_67 = arith.constant 5 : i32
    %dma_start3A_68 = arith.constant 0 : i32
    %dma_start3A_69 = arith.constant 5 : i32
    %dma_start3A_70 = arith.constant 0 : i32
    %dma_start3A_71 = arith.constant 0 : i32
    %dma_start3A_72 = tpu.memref_slice %arg6[%dma_start3A_68, %dma_start3A_69, %dma_start3A_70, %dma_start3A_71] : memref<2x8x50x128xf32, #tpu.memory_space<vmem>> -> memref<1x1x50x128xf32, #tpu.memory_space<vmem>>
    %dma_start3A_73 = tpu.memref_squeeze %dma_start3A_72 : memref<1x1x50x128xf32, #tpu.memory_space<vmem>> -> memref<50x128xf32, #tpu.memory_space<vmem>>
    %dma_start3A_74 = arith.constant 0 : i32
    %dma_start3A_75 = tpu.memref_slice %arg5[%dma_start3A_67, %dma_start3A_74] : memref<128x56xi32, #tpu.memory_space<vmem>> -> memref<1x50xi32, #tpu.memory_space<vmem>>
    %dma_start3A_76 = tpu.memref_squeeze %dma_start3A_75 : memref<1x50xi32, #tpu.memory_space<vmem>> -> memref<50xi32, #tpu.memory_space<vmem>>
    %dma_start3A_77 = arith.constant 0 : i32
    %dma_start3A_78 = arith.constant 0 : i32
    %dma_start3A_79 = tpu.memref_slice %arg3[%dma_start3A_77, %dma_start3A_78] : memref<1000x128xf32, #tpu.memory_space<hbm>> -> memref<1000x128xf32, #tpu.memory_space<hbm>>
    tpu.enqueue_indirect_dma source(%dma_start3A_79 : memref<1000x128xf32, #tpu.memory_space<hbm>>) target(%dma_start3A_73 : memref<50x128xf32, #tpu.memory_space<vmem>>) offsets(%dma_start3A_76 : memref<50xi32, #tpu.memory_space<vmem>>) semaphore(%arg7 : memref<!tpu.dma_semaphore, #tpu.memory_space<semaphore_mem>>)
    %dma_start3A_80 = arith.constant 6 : i32
    %dma_start3A_81 = arith.constant 0 : i32
    %dma_start3A_82 = arith.constant 6 : i32
    %dma_start3A_83 = arith.constant 0 : i32
    %dma_start3A_84 = arith.constant 0 : i32
    %dma_start3A_85 = tpu.memref_slice %arg6[%dma_start3A_81, %dma_start3A_82, %dma_start3A_83, %dma_start3A_84] : memref<2x8x50x128xf32, #tpu.memory_space<vmem>> -> memref<1x1x50x128xf32, #tpu.memory_space<vmem>>
    %dma_start3A_86 = tpu.memref_squeeze %dma_start3A_85 : memref<1x1x50x128xf32, #tpu.memory_space<vmem>> -> memref<50x128xf32, #tpu.memory_space<vmem>>
    %dma_start3A_87 = arith.constant 0 : i32
    %dma_start3A_88 = tpu.memref_slice %arg5[%dma_start3A_80, %dma_start3A_87] : memref<128x56xi32, #tpu.memory_space<vmem>> -> memref<1x50xi32, #tpu.memory_space<vmem>>
    %dma_start3A_89 = tpu.memref_squeeze %dma_start3A_88 : memref<1x50xi32, #tpu.memory_space<vmem>> -> memref<50xi32, #tpu.memory_space<vmem>>
    %dma_start3A_90 = arith.constant 0 : i32
    %dma_start3A_91 = arith.constant 0 : i32
    %dma_start3A_92 = tpu.memref_slice %arg3[%dma_start3A_90, %dma_start3A_91] : memref<1000x128xf32, #tpu.memory_space<hbm>> -> memref<1000x128xf32, #tpu.memory_space<hbm>>
    tpu.enqueue_indirect_dma source(%dma_start3A_92 : memref<1000x128xf32, #tpu.memory_space<hbm>>) target(%dma_start3A_86 : memref<50x128xf32, #tpu.memory_space<vmem>>) offsets(%dma_start3A_89 : memref<50xi32, #tpu.memory_space<vmem>>) semaphore(%arg7 : memref<!tpu.dma_semaphore, #tpu.memory_space<semaphore_mem>>)
    %dma_start3A_93 = arith.constant 7 : i32
    %dma_start3A_94 = arith.constant 0 : i32
    %dma_start3A_95 = arith.constant 7 : i32
    %dma_start3A_96 = arith.constant 0 : i32
    %dma_start3A_97 = arith.constant 0 : i32
    %dma_start3A_98 = tpu.memref_slice %arg6[%dma_start3A_94, %dma_start3A_95, %dma_start3A_96, %dma_start3A_97] : memref<2x8x50x128xf32, #tpu.memory_space<vmem>> -> memref<1x1x50x128xf32, #tpu.memory_space<vmem>>
    %dma_start3A_99 = tpu.memref_squeeze %dma_start3A_98 : memref<1x1x50x128xf32, #tpu.memory_space<vmem>> -> memref<50x128xf32, #tpu.memory_space<vmem>>
    %dma_start3A_100 = arith.constant 0 : i32
    %dma_start3A_101 = tpu.memref_slice %arg5[%dma_start3A_93, %dma_start3A_100] : memref<128x56xi32, #tpu.memory_space<vmem>> -> memref<1x50xi32, #tpu.memory_space<vmem>>
    %dma_start3A_102 = tpu.memref_squeeze %dma_start3A_101 : memref<1x50xi32, #tpu.memory_space<vmem>> -> memref<50xi32, #tpu.memory_space<vmem>>
    %dma_start3A_103 = arith.constant 0 : i32
    %dma_start3A_104 = arith.constant 0 : i32
    %dma_start3A_105 = tpu.memref_slice %arg3[%dma_start3A_103, %dma_start3A_104] : memref<1000x128xf32, #tpu.memory_space<hbm>> -> memref<1000x128xf32, #tpu.memory_space<hbm>>
    tpu.enqueue_indirect_dma source(%dma_start3A_105 : memref<1000x128xf32, #tpu.memory_space<hbm>>) target(%dma_start3A_99 : memref<50x128xf32, #tpu.memory_space<vmem>>) offsets(%dma_start3A_102 : memref<50xi32, #tpu.memory_space<vmem>>) semaphore(%arg7 : memref<!tpu.dma_semaphore, #tpu.memory_space<semaphore_mem>>)
    %scan3A = arith.constant 0 : i32
    %scan3A_106 = arith.constant 0 : i32
    %scan3A_107 = arith.constant 16 : i32
    %scan3A_108 = arith.addi %scan3A_106, %scan3A_107 : i32
    %scan3A_109 = arith.constant 1 : i32
    scf.for %scan3A_128 = %scan3A_106 to %scan3A_108 step %scan3A_109  : i32 {
      %rem3A_129 = arith.constant 2 : i32
      %rem3A_130 = arith.remsi %scan3A_128, %rem3A_129 : i32
      %dma_wait3A_131 = arith.constant 0 : i32
      %dma_wait3A_132 = arith.constant 0 : i32
      %dma_wait3A_133 = arith.constant 0 : i32
      %dma_wait3A_134 = tpu.memref_slice %arg6[%rem3A_130, %dma_wait3A_131, %dma_wait3A_132, %dma_wait3A_133] : memref<2x8x50x128xf32, #tpu.memory_space<vmem>> -> memref<1x8x50x128xf32, #tpu.memory_space<vmem>>
      %dma_wait3A_135 = tpu.memref_squeeze %dma_wait3A_134 : memref<1x8x50x128xf32, #tpu.memory_space<vmem>> -> memref<8x50x128xf32, #tpu.memory_space<vmem>>
      %dma_wait3A_136 = arith.constant 0 : i32
      %dma_wait3A_137 = arith.constant 0 : i32
      %dma_wait3A_138 = arith.constant 0 : i32
      %dma_wait3A_139 = tpu.memref_slice %arg4[%dma_wait3A_136, %dma_wait3A_137, %dma_wait3A_138] : memref<4096x50x128xf32, #tpu.memory_space<hbm>> -> memref<8x50x128xf32, #tpu.memory_space<hbm>>
      %dma_wait3A_140 = arith.constant 0 : i32
      %dma_wait3A_141 = arith.constant 0 : i32
      %dma_wait3A_142 = arith.constant 0 : i32
      %dma_wait3A_143 = tpu.memref_slice %arg6[%rem3A_130, %dma_wait3A_140, %dma_wait3A_141, %dma_wait3A_142] : memref<2x8x50x128xf32, #tpu.memory_space<vmem>> -> memref<1x8x50x128xf32, #tpu.memory_space<vmem>>
      %dma_wait3A_144 = tpu.memref_squeeze %dma_wait3A_143 : memref<1x8x50x128xf32, #tpu.memory_space<vmem>> -> memref<8x50x128xf32, #tpu.memory_space<vmem>>
      %dma_wait3A_145 = arith.constant 0 : i32
      %dma_wait3A_146 = arith.constant 0 : i32
      %dma_wait3A_147 = arith.constant 0 : i32
      %dma_wait3A_148 = tpu.memref_slice %arg4[%dma_wait3A_145, %dma_wait3A_146, %dma_wait3A_147] : memref<4096x50x128xf32, #tpu.memory_space<hbm>> -> memref<8x50x128xf32, #tpu.memory_space<hbm>>
      tpu.wait_dma2 semaphore(%arg7 : memref<!tpu.dma_semaphore, #tpu.memory_space<semaphore_mem>>) src(%dma_wait3A_148 : memref<8x50x128xf32, #tpu.memory_space<hbm>>) dst(%dma_wait3A_144 : memref<8x50x128xf32, #tpu.memory_space<vmem>>)
      %ge3A = arith.constant 1 : i32
      %ge3A_149 = arith.cmpi sge, %scan3A_128, %ge3A : i32
      %convert_element_type3A = arith.extui %ge3A_149 : i1 to i32
      %cond3A = arith.constant 0 : i32
      %cond3A_150 = arith.cmpi ne, %convert_element_type3A, %cond3A : i32
      scf.if %cond3A_150 {
        %sub3A = arith.constant 1 : i32
        %sub3A_176 = arith.subi %sub3A, %rem3A_130 : i32
        %dma_wait3A_177 = arith.constant 0 : i32
        %dma_wait3A_178 = arith.constant 0 : i32
        %dma_wait3A_179 = arith.constant 0 : i32
        %dma_wait3A_180 = tpu.memref_slice %arg6[%sub3A_176, %dma_wait3A_177, %dma_wait3A_178, %dma_wait3A_179] : memref<2x8x50x128xf32, #tpu.memory_space<vmem>> -> memref<1x8x50x128xf32, #tpu.memory_space<vmem>>
        %dma_wait3A_181 = tpu.memref_squeeze %dma_wait3A_180 : memref<1x8x50x128xf32, #tpu.memory_space<vmem>> -> memref<8x50x128xf32, #tpu.memory_space<vmem>>
        %dma_wait3A_182 = arith.constant 0 : i32
        %dma_wait3A_183 = arith.constant 0 : i32
        %dma_wait3A_184 = tpu.memref_slice %arg4[%mul3A_2, %dma_wait3A_182, %dma_wait3A_183] : memref<4096x50x128xf32, #tpu.memory_space<hbm>> -> memref<8x50x128xf32, #tpu.memory_space<hbm>>
        %dma_wait3A_185 = arith.constant 0 : i32
        %dma_wait3A_186 = arith.constant 0 : i32
        %dma_wait3A_187 = tpu.memref_slice %arg4[%mul3A_2, %dma_wait3A_185, %dma_wait3A_186] : memref<4096x50x128xf32, #tpu.memory_space<hbm>> -> memref<8x50x128xf32, #tpu.memory_space<hbm>>
        %dma_wait3A_188 = arith.constant 0 : i32
        %dma_wait3A_189 = arith.constant 0 : i32
        %dma_wait3A_190 = arith.constant 0 : i32
        %dma_wait3A_191 = tpu.memref_slice %arg6[%sub3A_176, %dma_wait3A_188, %dma_wait3A_189, %dma_wait3A_190] : memref<2x8x50x128xf32, #tpu.memory_space<vmem>> -> memref<1x8x50x128xf32, #tpu.memory_space<vmem>>
        %dma_wait3A_192 = tpu.memref_squeeze %dma_wait3A_191 : memref<1x8x50x128xf32, #tpu.memory_space<vmem>> -> memref<8x50x128xf32, #tpu.memory_space<vmem>>
        tpu.wait_dma2 semaphore(%arg8 : memref<!tpu.dma_semaphore, #tpu.memory_space<semaphore_mem>>) src(%dma_wait3A_192 : memref<8x50x128xf32, #tpu.memory_space<vmem>>) dst(%dma_wait3A_187 : memref<8x50x128xf32, #tpu.memory_space<hbm>>)
      } else {
      }
      %add3A_151 = arith.constant 1 : i32
      %add3A_152 = arith.addi %scan3A_128, %add3A_151 : i32
      %lt3A = arith.constant 16 : i32
      %lt3A_153 = arith.cmpi slt, %add3A_152, %lt3A : i32
      %convert_element_type3A_154 = arith.extui %lt3A_153 : i1 to i32
      %cond3A_155 = arith.constant 0 : i32
      %cond3A_156 = arith.cmpi ne, %convert_element_type3A_154, %cond3A_155 : i32
      scf.if %cond3A_156 {
        %add3A_176 = arith.constant 1 : i32
        %add3A_177 = arith.addi %scan3A_128, %add3A_176 : i32
        %sub3A = arith.constant 1 : i32
        %sub3A_178 = arith.subi %sub3A, %rem3A_130 : i32
        %mul3A_179 = arith.constant 8 : i32
        %mul3A_180 = arith.muli %add3A_177, %mul3A_179 : i32
        %add3A_181 = arith.constant 0 : i32
        %add3A_182 = arith.addi %mul3A_180, %add3A_181 : i32
        %dma_start3A_183 = arith.constant 0 : i32
        %dma_start3A_184 = arith.constant 0 : i32
        %dma_start3A_185 = arith.constant 0 : i32
        %dma_start3A_186 = tpu.memref_slice %arg6[%sub3A_178, %dma_start3A_183, %dma_start3A_184, %dma_start3A_185] : memref<2x8x50x128xf32, #tpu.memory_space<vmem>> -> memref<1x1x50x128xf32, #tpu.memory_space<vmem>>
        %dma_start3A_187 = tpu.memref_squeeze %dma_start3A_186 : memref<1x1x50x128xf32, #tpu.memory_space<vmem>> -> memref<50x128xf32, #tpu.memory_space<vmem>>
        %dma_start3A_188 = arith.constant 0 : i32
        %dma_start3A_189 = tpu.memref_slice %arg5[%add3A_182, %dma_start3A_188] : memref<128x56xi32, #tpu.memory_space<vmem>> -> memref<1x50xi32, #tpu.memory_space<vmem>>
        %dma_start3A_190 = tpu.memref_squeeze %dma_start3A_189 : memref<1x50xi32, #tpu.memory_space<vmem>> -> memref<50xi32, #tpu.memory_space<vmem>>
        %dma_start3A_191 = arith.constant 0 : i32
        %dma_start3A_192 = arith.constant 0 : i32
        %dma_start3A_193 = tpu.memref_slice %arg3[%dma_start3A_191, %dma_start3A_192] : memref<1000x128xf32, #tpu.memory_space<hbm>> -> memref<1000x128xf32, #tpu.memory_space<hbm>>
        tpu.enqueue_indirect_dma source(%dma_start3A_193 : memref<1000x128xf32, #tpu.memory_space<hbm>>) target(%dma_start3A_187 : memref<50x128xf32, #tpu.memory_space<vmem>>) offsets(%dma_start3A_190 : memref<50xi32, #tpu.memory_space<vmem>>) semaphore(%arg7 : memref<!tpu.dma_semaphore, #tpu.memory_space<semaphore_mem>>)
        %mul3A_194 = arith.constant 8 : i32
        %mul3A_195 = arith.muli %add3A_177, %mul3A_194 : i32
        %add3A_196 = arith.constant 1 : i32
        %add3A_197 = arith.addi %mul3A_195, %add3A_196 : i32
        %dma_start3A_198 = arith.constant 1 : i32
        %dma_start3A_199 = arith.constant 0 : i32
        %dma_start3A_200 = arith.constant 0 : i32
        %dma_start3A_201 = tpu.memref_slice %arg6[%sub3A_178, %dma_start3A_198, %dma_start3A_199, %dma_start3A_200] : memref<2x8x50x128xf32, #tpu.memory_space<vmem>> -> memref<1x1x50x128xf32, #tpu.memory_space<vmem>>
        %dma_start3A_202 = tpu.memref_squeeze %dma_start3A_201 : memref<1x1x50x128xf32, #tpu.memory_space<vmem>> -> memref<50x128xf32, #tpu.memory_space<vmem>>
        %dma_start3A_203 = arith.constant 0 : i32
        %dma_start3A_204 = tpu.memref_slice %arg5[%add3A_197, %dma_start3A_203] : memref<128x56xi32, #tpu.memory_space<vmem>> -> memref<1x50xi32, #tpu.memory_space<vmem>>
        %dma_start3A_205 = tpu.memref_squeeze %dma_start3A_204 : memref<1x50xi32, #tpu.memory_space<vmem>> -> memref<50xi32, #tpu.memory_space<vmem>>
        %dma_start3A_206 = arith.constant 0 : i32
        %dma_start3A_207 = arith.constant 0 : i32
        %dma_start3A_208 = tpu.memref_slice %arg3[%dma_start3A_206, %dma_start3A_207] : memref<1000x128xf32, #tpu.memory_space<hbm>> -> memref<1000x128xf32, #tpu.memory_space<hbm>>
        tpu.enqueue_indirect_dma source(%dma_start3A_208 : memref<1000x128xf32, #tpu.memory_space<hbm>>) target(%dma_start3A_202 : memref<50x128xf32, #tpu.memory_space<vmem>>) offsets(%dma_start3A_205 : memref<50xi32, #tpu.memory_space<vmem>>) semaphore(%arg7 : memref<!tpu.dma_semaphore, #tpu.memory_space<semaphore_mem>>)
        %mul3A_209 = arith.constant 8 : i32
        %mul3A_210 = arith.muli %add3A_177, %mul3A_209 : i32
        %add3A_211 = arith.constant 2 : i32
        %add3A_212 = arith.addi %mul3A_210, %add3A_211 : i32
        %dma_start3A_213 = arith.constant 2 : i32
        %dma_start3A_214 = arith.constant 0 : i32
        %dma_start3A_215 = arith.constant 0 : i32
        %dma_start3A_216 = tpu.memref_slice %arg6[%sub3A_178, %dma_start3A_213, %dma_start3A_214, %dma_start3A_215] : memref<2x8x50x128xf32, #tpu.memory_space<vmem>> -> memref<1x1x50x128xf32, #tpu.memory_space<vmem>>
        %dma_start3A_217 = tpu.memref_squeeze %dma_start3A_216 : memref<1x1x50x128xf32, #tpu.memory_space<vmem>> -> memref<50x128xf32, #tpu.memory_space<vmem>>
        %dma_start3A_218 = arith.constant 0 : i32
        %dma_start3A_219 = tpu.memref_slice %arg5[%add3A_212, %dma_start3A_218] : memref<128x56xi32, #tpu.memory_space<vmem>> -> memref<1x50xi32, #tpu.memory_space<vmem>>
        %dma_start3A_220 = tpu.memref_squeeze %dma_start3A_219 : memref<1x50xi32, #tpu.memory_space<vmem>> -> memref<50xi32, #tpu.memory_space<vmem>>
        %dma_start3A_221 = arith.constant 0 : i32
        %dma_start3A_222 = arith.constant 0 : i32
        %dma_start3A_223 = tpu.memref_slice %arg3[%dma_start3A_221, %dma_start3A_222] : memref<1000x128xf32, #tpu.memory_space<hbm>> -> memref<1000x128xf32, #tpu.memory_space<hbm>>
        tpu.enqueue_indirect_dma source(%dma_start3A_223 : memref<1000x128xf32, #tpu.memory_space<hbm>>) target(%dma_start3A_217 : memref<50x128xf32, #tpu.memory_space<vmem>>) offsets(%dma_start3A_220 : memref<50xi32, #tpu.memory_space<vmem>>) semaphore(%arg7 : memref<!tpu.dma_semaphore, #tpu.memory_space<semaphore_mem>>)
        %mul3A_224 = arith.constant 8 : i32
        %mul3A_225 = arith.muli %add3A_177, %mul3A_224 : i32
        %add3A_226 = arith.constant 3 : i32
        %add3A_227 = arith.addi %mul3A_225, %add3A_226 : i32
        %dma_start3A_228 = arith.constant 3 : i32
        %dma_start3A_229 = arith.constant 0 : i32
        %dma_start3A_230 = arith.constant 0 : i32
        %dma_start3A_231 = tpu.memref_slice %arg6[%sub3A_178, %dma_start3A_228, %dma_start3A_229, %dma_start3A_230] : memref<2x8x50x128xf32, #tpu.memory_space<vmem>> -> memref<1x1x50x128xf32, #tpu.memory_space<vmem>>
        %dma_start3A_232 = tpu.memref_squeeze %dma_start3A_231 : memref<1x1x50x128xf32, #tpu.memory_space<vmem>> -> memref<50x128xf32, #tpu.memory_space<vmem>>
        %dma_start3A_233 = arith.constant 0 : i32
        %dma_start3A_234 = tpu.memref_slice %arg5[%add3A_227, %dma_start3A_233] : memref<128x56xi32, #tpu.memory_space<vmem>> -> memref<1x50xi32, #tpu.memory_space<vmem>>
        %dma_start3A_235 = tpu.memref_squeeze %dma_start3A_234 : memref<1x50xi32, #tpu.memory_space<vmem>> -> memref<50xi32, #tpu.memory_space<vmem>>
        %dma_start3A_236 = arith.constant 0 : i32
        %dma_start3A_237 = arith.constant 0 : i32
        %dma_start3A_238 = tpu.memref_slice %arg3[%dma_start3A_236, %dma_start3A_237] : memref<1000x128xf32, #tpu.memory_space<hbm>> -> memref<1000x128xf32, #tpu.memory_space<hbm>>
        tpu.enqueue_indirect_dma source(%dma_start3A_238 : memref<1000x128xf32, #tpu.memory_space<hbm>>) target(%dma_start3A_232 : memref<50x128xf32, #tpu.memory_space<vmem>>) offsets(%dma_start3A_235 : memref<50xi32, #tpu.memory_space<vmem>>) semaphore(%arg7 : memref<!tpu.dma_semaphore, #tpu.memory_space<semaphore_mem>>)
        %mul3A_239 = arith.constant 8 : i32
        %mul3A_240 = arith.muli %add3A_177, %mul3A_239 : i32
        %add3A_241 = arith.constant 4 : i32
        %add3A_242 = arith.addi %mul3A_240, %add3A_241 : i32
        %dma_start3A_243 = arith.constant 4 : i32
        %dma_start3A_244 = arith.constant 0 : i32
        %dma_start3A_245 = arith.constant 0 : i32
        %dma_start3A_246 = tpu.memref_slice %arg6[%sub3A_178, %dma_start3A_243, %dma_start3A_244, %dma_start3A_245] : memref<2x8x50x128xf32, #tpu.memory_space<vmem>> -> memref<1x1x50x128xf32, #tpu.memory_space<vmem>>
        %dma_start3A_247 = tpu.memref_squeeze %dma_start3A_246 : memref<1x1x50x128xf32, #tpu.memory_space<vmem>> -> memref<50x128xf32, #tpu.memory_space<vmem>>
        %dma_start3A_248 = arith.constant 0 : i32
        %dma_start3A_249 = tpu.memref_slice %arg5[%add3A_242, %dma_start3A_248] : memref<128x56xi32, #tpu.memory_space<vmem>> -> memref<1x50xi32, #tpu.memory_space<vmem>>
        %dma_start3A_250 = tpu.memref_squeeze %dma_start3A_249 : memref<1x50xi32, #tpu.memory_space<vmem>> -> memref<50xi32, #tpu.memory_space<vmem>>
        %dma_start3A_251 = arith.constant 0 : i32
        %dma_start3A_252 = arith.constant 0 : i32
        %dma_start3A_253 = tpu.memref_slice %arg3[%dma_start3A_251, %dma_start3A_252] : memref<1000x128xf32, #tpu.memory_space<hbm>> -> memref<1000x128xf32, #tpu.memory_space<hbm>>
        tpu.enqueue_indirect_dma source(%dma_start3A_253 : memref<1000x128xf32, #tpu.memory_space<hbm>>) target(%dma_start3A_247 : memref<50x128xf32, #tpu.memory_space<vmem>>) offsets(%dma_start3A_250 : memref<50xi32, #tpu.memory_space<vmem>>) semaphore(%arg7 : memref<!tpu.dma_semaphore, #tpu.memory_space<semaphore_mem>>)
        %mul3A_254 = arith.constant 8 : i32
        %mul3A_255 = arith.muli %add3A_177, %mul3A_254 : i32
        %add3A_256 = arith.constant 5 : i32
        %add3A_257 = arith.addi %mul3A_255, %add3A_256 : i32
        %dma_start3A_258 = arith.constant 5 : i32
        %dma_start3A_259 = arith.constant 0 : i32
        %dma_start3A_260 = arith.constant 0 : i32
        %dma_start3A_261 = tpu.memref_slice %arg6[%sub3A_178, %dma_start3A_258, %dma_start3A_259, %dma_start3A_260] : memref<2x8x50x128xf32, #tpu.memory_space<vmem>> -> memref<1x1x50x128xf32, #tpu.memory_space<vmem>>
        %dma_start3A_262 = tpu.memref_squeeze %dma_start3A_261 : memref<1x1x50x128xf32, #tpu.memory_space<vmem>> -> memref<50x128xf32, #tpu.memory_space<vmem>>
        %dma_start3A_263 = arith.constant 0 : i32
        %dma_start3A_264 = tpu.memref_slice %arg5[%add3A_257, %dma_start3A_263] : memref<128x56xi32, #tpu.memory_space<vmem>> -> memref<1x50xi32, #tpu.memory_space<vmem>>
        %dma_start3A_265 = tpu.memref_squeeze %dma_start3A_264 : memref<1x50xi32, #tpu.memory_space<vmem>> -> memref<50xi32, #tpu.memory_space<vmem>>
        %dma_start3A_266 = arith.constant 0 : i32
        %dma_start3A_267 = arith.constant 0 : i32
        %dma_start3A_268 = tpu.memref_slice %arg3[%dma_start3A_266, %dma_start3A_267] : memref<1000x128xf32, #tpu.memory_space<hbm>> -> memref<1000x128xf32, #tpu.memory_space<hbm>>
        tpu.enqueue_indirect_dma source(%dma_start3A_268 : memref<1000x128xf32, #tpu.memory_space<hbm>>) target(%dma_start3A_262 : memref<50x128xf32, #tpu.memory_space<vmem>>) offsets(%dma_start3A_265 : memref<50xi32, #tpu.memory_space<vmem>>) semaphore(%arg7 : memref<!tpu.dma_semaphore, #tpu.memory_space<semaphore_mem>>)
        %mul3A_269 = arith.constant 8 : i32
        %mul3A_270 = arith.muli %add3A_177, %mul3A_269 : i32
        %add3A_271 = arith.constant 6 : i32
        %add3A_272 = arith.addi %mul3A_270, %add3A_271 : i32
        %dma_start3A_273 = arith.constant 6 : i32
        %dma_start3A_274 = arith.constant 0 : i32
        %dma_start3A_275 = arith.constant 0 : i32
        %dma_start3A_276 = tpu.memref_slice %arg6[%sub3A_178, %dma_start3A_273, %dma_start3A_274, %dma_start3A_275] : memref<2x8x50x128xf32, #tpu.memory_space<vmem>> -> memref<1x1x50x128xf32, #tpu.memory_space<vmem>>
        %dma_start3A_277 = tpu.memref_squeeze %dma_start3A_276 : memref<1x1x50x128xf32, #tpu.memory_space<vmem>> -> memref<50x128xf32, #tpu.memory_space<vmem>>
        %dma_start3A_278 = arith.constant 0 : i32
        %dma_start3A_279 = tpu.memref_slice %arg5[%add3A_272, %dma_start3A_278] : memref<128x56xi32, #tpu.memory_space<vmem>> -> memref<1x50xi32, #tpu.memory_space<vmem>>
        %dma_start3A_280 = tpu.memref_squeeze %dma_start3A_279 : memref<1x50xi32, #tpu.memory_space<vmem>> -> memref<50xi32, #tpu.memory_space<vmem>>
        %dma_start3A_281 = arith.constant 0 : i32
        %dma_start3A_282 = arith.constant 0 : i32
        %dma_start3A_283 = tpu.memref_slice %arg3[%dma_start3A_281, %dma_start3A_282] : memref<1000x128xf32, #tpu.memory_space<hbm>> -> memref<1000x128xf32, #tpu.memory_space<hbm>>
        tpu.enqueue_indirect_dma source(%dma_start3A_283 : memref<1000x128xf32, #tpu.memory_space<hbm>>) target(%dma_start3A_277 : memref<50x128xf32, #tpu.memory_space<vmem>>) offsets(%dma_start3A_280 : memref<50xi32, #tpu.memory_space<vmem>>) semaphore(%arg7 : memref<!tpu.dma_semaphore, #tpu.memory_space<semaphore_mem>>)
        %mul3A_284 = arith.constant 8 : i32
        %mul3A_285 = arith.muli %add3A_177, %mul3A_284 : i32
        %add3A_286 = arith.constant 7 : i32
        %add3A_287 = arith.addi %mul3A_285, %add3A_286 : i32
        %dma_start3A_288 = arith.constant 7 : i32
        %dma_start3A_289 = arith.constant 0 : i32
        %dma_start3A_290 = arith.constant 0 : i32
        %dma_start3A_291 = tpu.memref_slice %arg6[%sub3A_178, %dma_start3A_288, %dma_start3A_289, %dma_start3A_290] : memref<2x8x50x128xf32, #tpu.memory_space<vmem>> -> memref<1x1x50x128xf32, #tpu.memory_space<vmem>>
        %dma_start3A_292 = tpu.memref_squeeze %dma_start3A_291 : memref<1x1x50x128xf32, #tpu.memory_space<vmem>> -> memref<50x128xf32, #tpu.memory_space<vmem>>
        %dma_start3A_293 = arith.constant 0 : i32
        %dma_start3A_294 = tpu.memref_slice %arg5[%add3A_287, %dma_start3A_293] : memref<128x56xi32, #tpu.memory_space<vmem>> -> memref<1x50xi32, #tpu.memory_space<vmem>>
        %dma_start3A_295 = tpu.memref_squeeze %dma_start3A_294 : memref<1x50xi32, #tpu.memory_space<vmem>> -> memref<50xi32, #tpu.memory_space<vmem>>
        %dma_start3A_296 = arith.constant 0 : i32
        %dma_start3A_297 = arith.constant 0 : i32
        %dma_start3A_298 = tpu.memref_slice %arg3[%dma_start3A_296, %dma_start3A_297] : memref<1000x128xf32, #tpu.memory_space<hbm>> -> memref<1000x128xf32, #tpu.memory_space<hbm>>
        tpu.enqueue_indirect_dma source(%dma_start3A_298 : memref<1000x128xf32, #tpu.memory_space<hbm>>) target(%dma_start3A_292 : memref<50x128xf32, #tpu.memory_space<vmem>>) offsets(%dma_start3A_295 : memref<50xi32, #tpu.memory_space<vmem>>) semaphore(%arg7 : memref<!tpu.dma_semaphore, #tpu.memory_space<semaphore_mem>>)
      } else {
      }
      %mul3A_157 = arith.constant 8 : i32
      %mul3A_158 = arith.muli %scan3A_128, %mul3A_157 : i32
      %add3A_159 = arith.addi %mul3A_2, %mul3A_158 : i32
      %dma_start3A_160 = arith.constant 0 : i32
      %dma_start3A_161 = arith.constant 0 : i32
      %dma_start3A_162 = arith.constant 0 : i32
      %dma_start3A_163 = tpu.memref_slice %arg6[%rem3A_130, %dma_start3A_160, %dma_start3A_161, %dma_start3A_162] : memref<2x8x50x128xf32, #tpu.memory_space<vmem>> -> memref<1x8x50x128xf32, #tpu.memory_space<vmem>>
      %dma_start3A_164 = tpu.memref_squeeze %dma_start3A_163 : memref<1x8x50x128xf32, #tpu.memory_space<vmem>> -> memref<8x50x128xf32, #tpu.memory_space<vmem>>
      %dma_start3A_165 = arith.constant 0 : i32
      %dma_start3A_166 = arith.constant 0 : i32
      %dma_start3A_167 = tpu.memref_slice %arg4[%add3A_159, %dma_start3A_165, %dma_start3A_166] : memref<4096x50x128xf32, #tpu.memory_space<hbm>> -> memref<8x50x128xf32, #tpu.memory_space<hbm>>
      %dma_start3A_168 = arith.constant 0 : i32
      %dma_start3A_169 = arith.constant 0 : i32
      %dma_start3A_170 = tpu.memref_slice %arg4[%add3A_159, %dma_start3A_168, %dma_start3A_169] : memref<4096x50x128xf32, #tpu.memory_space<hbm>> -> memref<8x50x128xf32, #tpu.memory_space<hbm>>
      %dma_start3A_171 = arith.constant 0 : i32
      %dma_start3A_172 = arith.constant 0 : i32
      %dma_start3A_173 = arith.constant 0 : i32
      %dma_start3A_174 = tpu.memref_slice %arg6[%rem3A_130, %dma_start3A_171, %dma_start3A_172, %dma_start3A_173] : memref<2x8x50x128xf32, #tpu.memory_space<vmem>> -> memref<1x8x50x128xf32, #tpu.memory_space<vmem>>
      %dma_start3A_175 = tpu.memref_squeeze %dma_start3A_174 : memref<1x8x50x128xf32, #tpu.memory_space<vmem>> -> memref<8x50x128xf32, #tpu.memory_space<vmem>>
      tpu.enqueue_dma source(%dma_start3A_175 : memref<8x50x128xf32, #tpu.memory_space<vmem>>) target(%dma_start3A_170 : memref<8x50x128xf32, #tpu.memory_space<hbm>>) target_semaphore(%arg8 : memref<!tpu.dma_semaphore, #tpu.memory_space<semaphore_mem>>)
    }
    %scan3A_110 = arith.constant 16 : i32
    %rem3A = arith.constant 15 : i32
    %rem3A_111 = arith.constant 2 : i32
    %rem3A_112 = arith.remsi %rem3A, %rem3A_111 : i32
    %dma_wait3A = arith.constant 0 : i32
    %dma_wait3A_113 = arith.constant 0 : i32
    %dma_wait3A_114 = arith.constant 0 : i32
    %dma_wait3A_115 = tpu.memref_slice %arg6[%rem3A_112, %dma_wait3A, %dma_wait3A_113, %dma_wait3A_114] : memref<2x8x50x128xf32, #tpu.memory_space<vmem>> -> memref<1x8x50x128xf32, #tpu.memory_space<vmem>>
    %dma_wait3A_116 = tpu.memref_squeeze %dma_wait3A_115 : memref<1x8x50x128xf32, #tpu.memory_space<vmem>> -> memref<8x50x128xf32, #tpu.memory_space<vmem>>
    %dma_wait3A_117 = arith.constant 0 : i32
    %dma_wait3A_118 = arith.constant 0 : i32
    %dma_wait3A_119 = tpu.memref_slice %arg4[%mul3A_2, %dma_wait3A_117, %dma_wait3A_118] : memref<4096x50x128xf32, #tpu.memory_space<hbm>> -> memref<8x50x128xf32, #tpu.memory_space<hbm>>
    %dma_wait3A_120 = arith.constant 0 : i32
    %dma_wait3A_121 = arith.constant 0 : i32
    %dma_wait3A_122 = tpu.memref_slice %arg4[%mul3A_2, %dma_wait3A_120, %dma_wait3A_121] : memref<4096x50x128xf32, #tpu.memory_space<hbm>> -> memref<8x50x128xf32, #tpu.memory_space<hbm>>
    %dma_wait3A_123 = arith.constant 0 : i32
    %dma_wait3A_124 = arith.constant 0 : i32
    %dma_wait3A_125 = arith.constant 0 : i32
    %dma_wait3A_126 = tpu.memref_slice %arg6[%rem3A_112, %dma_wait3A_123, %dma_wait3A_124, %dma_wait3A_125] : memref<2x8x50x128xf32, #tpu.memory_space<vmem>> -> memref<1x8x50x128xf32, #tpu.memory_space<vmem>>
    %dma_wait3A_127 = tpu.memref_squeeze %dma_wait3A_126 : memref<1x8x50x128xf32, #tpu.memory_space<vmem>> -> memref<8x50x128xf32, #tpu.memory_space<vmem>>
    tpu.wait_dma2 semaphore(%arg8 : memref<!tpu.dma_semaphore, #tpu.memory_space<semaphore_mem>>) src(%dma_wait3A_127 : memref<8x50x128xf32, #tpu.memory_space<vmem>>) dst(%dma_wait3A_122 : memref<8x50x128xf32, #tpu.memory_space<hbm>>)
    return
  }
}

</mosaic_0001>

<sc_bundles>
// kernel: kernel.3.cloned.1.call-start
scs
__scs_entry_jumppad:
0x0: {  	(pc) =	sbr.rel $0x88, $3  }
0x1: {  	(tag) =	ssettag $0x0;
	lr =	simm.s32 $0x1  }
0x2: {  	[smem:$0x3F9F] =	sst lr;
	_ =	strace $0xD0000000  }
0x3: {  	_ = 	snop  }
0x4: {  	_ = 	snop  }
0x5: {  	_ = 	snop  }
0x6: {  	_ = 	snop  }
0x7: {  	_ = 	snop  }
__scs_overlays_trampoline_lowered:
0x8: {  	[smem:$0x3FAE] =	sst s0  }
0x9: {  	[smem:$0x3FAF] =	sst s1  }
0xa: {  	[smem:$0x3FB0] =	sst s2  }
0xb: {  	[smem:$0x3FB1] =	sst s3  }
0xc: {  	[smem:$0x3FB2] =	sst s4  }
0xd: {  	[smem:$0x3FB3] =	sst s5  }
0xe: {  	[smem:$0x3FB4] =	sst s6  }
0xf: {  	[smem:$0x3FB5] =	sst s7  }
0x10: {  	[smem:$0x3FB6] =	sst s8  }
0x11: {  	[smem:$0x3FB7] =	sst s9;
	s0 =	simm.s32 @!p0 $0x0  }
0x12: {  	s1 =	sld [smem:$0x3F9D];
	s0 =	simm.s32 @p0 $0x1  }
0x13: {  	[smem:$0x3FB8] =	sst s0;
	s0 =	simm.s32 @!p1 $0x0  }
0x14: {  	s2 =	sld [smem:$0x3F9C];
	s0 =	simm.s32 @p1 $0x1  }
0x15: {  	[smem:$0x3FB9] =	sst s0;
	s0 =	simm.s32 @!p2 $0x0  }
0x16: {  	s3 =	sld [smem:$0x3FDB];
	s0 =	simm.s32 @p2 $0x1  }
0x17: {  	s4 =	simm.s32 $0x1BF5;
	[smem:$0x3FBB] =	sst s0  }
0x18: {  	s0 =	sld [smem:$0x3F9E];
	_ =	swait.ge [sflag:s4], $0x0  }
0x19: {  	s7 =	sld [smem:$0x3F9F]  }
0x1a: {  	s8 =	sadd.s32 $0xFFFFE003, lr  }
0x1b: {  	s9 =	sadd.s32 $0xFFFFFEF7, lr;
	s5 =	simm.s32 $0xFFFFFFFF;
	p2 =	slt.u32 s8, $0xFFFFF086  }
0x1c: {  	p1 =	slt.u32 s9, $0xF7A;
	s5 =	simm.s32 @!p2 $0x0  }
0x1d: {  	s5 =	simm.s32 @p1 $0x1;
	p0 =	seq.s32 s7, s2  }
0x1e: {  	s7 =	smul.u32 @!p0 $0xF7A, s2;
	p2 =	seq.s32 @!p0 s5, $0x0  }
0x1f: {  	s9 =	smul.u32 $0xF7A, s1;
	s8 =	simm.s32 @!p0 $0x1BF5;
	p2 =	por !p2, p0  }
0x20: {  	[sflag:s8] =	ssyncset.s32 @!p0 $0xFFFFF086;
	s6 =	sadd.s32 @!p0 s3, s7;
	s7 =	simm.s32 @!p0 $0x108  }
0x21: {  	s3 =	sadd.s32 s3, s9;
	s6 =	sadd.s32 @!p0 $0x88, s6;
	s7 =	simm.s32 @p2 $0x1082  }
0x22: {  	[simem:s7], [sflag:s8] =	dma.local @!p0 [hbm:s6], $0xF7A  }
0x23: {  	s9 =	sor.u32 $0xD0000000, s2;
	s6 =	simm.s32 $0x108;
	_ =	swait.ge @!p0 [sflag:s8], $0x0  }
0x24: {  	s3 =	sadd.s32 $0x88, s3;
	s6 =	simm.s32 @!p1 $0x1082;
	[sflag:s4] =	ssyncset.s32 $0xFFFFF086  }
0x25: {  	[simem:s6], [sflag:s4] =	dma.local [hbm:s3], $0xF7A  }
0x26: {  	[smem:$0x3F9F] =	sst s1;
	(tag) =	ssettag s2;
	_ =	strace s9  }
0x27: {  	s1 =	sld [smem:$0x3FAF]  }
0x28: {  	s2 =	sld [smem:$0x3FB0]  }
0x29: {  	s4 =	sld [smem:$0x3FB2]  }
0x2a: {  	p0 =	seq.s32 s5, $0x0;
	s5 =	sld [smem:$0x3FB3]  }
0x2b: {  	s6 =	sld [smem:$0x3FB4]  }
0x2c: {  	s7 =	sld [smem:$0x3FB5]  }
0x2d: {  	s3 =	simm.s32 $0x108;
	s8 =	sld [smem:$0x3FB6]  }
0x2e: {  	s3 =	simm.s32 @!p0 $0x1082;
	s9 =	sld [smem:$0x3FB7]  }
0x2f: {  	lr =	sadd.s32 s0, s3;
	s0 =	sld [smem:$0x3FAE]  }
0x30: {  	s3 =	sld [smem:$0x3FB1]  }
0x31: {  	[smem:$0x3FBA] =	sst s10  }
0x32: {  	s10 =	sld [smem:$0x3FB8];
	_ =	sdelay $0x3  }
0x33: {  	p0 =	seq.s32 s10, $0x1;
	s10 =	sld [smem:$0x3FBA];
	_ =	sdelay $0x3  }
0x34: {  	[smem:$0x3FBA] =	sst s10  }
0x35: {  	s10 =	sld [smem:$0x3FB9];
	_ =	sdelay $0x3  }
0x36: {  	p1 =	seq.s32 s10, $0x1;
	s10 =	sld [smem:$0x3FBA];
	_ =	sdelay $0x3  }
0x37: {  	[smem:$0x3FBA] =	sst s10  }
0x38: {  	s10 =	sld [smem:$0x3FBB]  }
0x39: {  	_ = 	snop;
	(pc) =	sbr.ind lr, $3  }
0x3a: {  	_ = 	snop  }
0x3b: {  	_ = 	snop  }
0x3c: {  	p2 =	seq.s32 s10, $0x1;
	s10 =	sld [smem:$0x3FBA]  }
0x3d: {  	_ =	shalt  }
0x3e: {  	_ =	shalt  }
0x3f: {  	_ =	shalt  }
0x40: {  	_ =	shalt  }
0x41: {  	_ =	shalt  }
0x42: {  	_ =	shalt  }
0x43: {  	_ =	shalt  }
0x44: {  	_ =	shalt  }
0x45: {  	_ =	shalt  }
0x46: {  	_ =	shalt  }
0x47: {  	_ =	shalt  }
0x48: {  	_ =	shalt  }
0x49: {  	_ =	shalt  }
0x4a: {  	_ =	shalt  }
0x4b: {  	_ =	shalt  }
0x4c: {  	_ =	shalt  }
0x4d: {  	_ =	shalt  }
0x4e: {  	_ =	shalt  }
0x4f: {  	_ =	shalt  }
0x50: {  	_ =	shalt  }
0x51: {  	_ =	shalt  }
0x52: {  	_ =	shalt  }
0x53: {  	_ =	shalt  }
0x54: {  	_ =	shalt  }
0x55: {  	_ =	shalt  }
0x56: {  	_ =	shalt  }
0x57: {  	_ =	shalt  }
0x58: {  	_ =	shalt  }
0x59: {  	_ =	shalt  }
0x5a: {  	_ =	shalt  }
0x5b: {  	_ =	shalt  }
0x5c: {  	_ =	shalt  }
0x5d: {  	_ =	shalt  }
0x5e: {  	_ =	shalt  }
0x5f: {  	_ =	shalt  }
0x60: {  	_ =	shalt  }
0x61: {  	_ =	shalt  }
0x62: {  	_ =	shalt  }
0x63: {  	_ =	shalt  }
0x64: {  	_ =	shalt  }
0x65: {  	_ =	shalt  }
0x66: {  	_ =	shalt  }
0x67: {  	_ =	shalt  }
0x68: {  	_ =	shalt  }
0x69: {  	_ =	shalt  }
0x6a: {  	_ =	shalt  }
0x6b: {  	_ =	shalt  }
0x6c: {  	_ =	shalt  }
0x6d: {  	_ =	shalt  }
0x6e: {  	_ =	shalt  }
0x6f: {  	_ =	shalt  }
0x70: {  	_ =	shalt  }
0x71: {  	_ =	shalt  }
0x72: {  	_ =	shalt  }
0x73: {  	_ =	shalt  }
0x74: {  	_ =	shalt  }
0x75: {  	_ =	shalt  }
0x76: {  	_ =	shalt  }
0x77: {  	_ =	shalt  }
0x78: {  	_ =	shalt  }
0x79: {  	_ =	shalt  }
0x7a: {  	_ =	shalt  }
0x7b: {  	_ =	shalt  }
0x7c: {  	_ =	shalt  }
0x7d: {  	_ =	shalt  }
0x7e: {  	_ =	shalt  }
0x7f: {  	_ =	shalt  }
0x80: {  	_ =	shalt  }
0x81: {  	_ =	shalt  }
0x82: {  	_ =	shalt  }
0x83: {  	_ =	shalt  }
0x84: {  	_ =	shalt  }
0x85: {  	_ =	shalt  }
0x86: {  	_ =	shalt  }
0x87: {  	_ =	shalt  }
.Lfunc_end0:
.L_simem_size_0:
called_computation_lowered:
.L_overlay_start_0:
0x88: {  	s2 =	sld [smem:$0x3FD9]  }
0x89: {  	s3 =	sld [smem:$0x3FFE];
	_ =	sdelay $0x1  }
0x8a: {  	s1 =	srdreg.scid  }
0x8b: {  	s0 =	sand.u32 $0x1, s1  }
0x8c: {  	s17 =	sshll.u32 s0, $0xA;
	s2 =	sadd.s32 s3, s2  }
0x8d: {  	s2 =	sadd.s32 s2, s17  }
0x8e: {  	[smem:$0x3FC6] =	sst s2  }
0x8f: {  	_ = 	snop  }
0x90: {  	s2 =	sld [smem:$0x3FC8]  }
0x91: {  	s18 =	sld [smem:$0x3FD0];
	(tm) =	ssettm $0x1  }
0x92: {  	s4 =	sld [smem:$0x3FFB];
	_ =	sdelay $0x3  }
0x93: {  	_ =	strace s4  }
0x94: {  	s4 =	sld [smem:$0x3FFC];
	_ =	sdelay $0x3  }
0x95: {  	_ =	strace s4  }
0x96: {  	s4 =	sld [smem:$0x3FFD];
	_ =	sdelay $0x3  }
0x97: {  	_ =	strace s4  }
0x98: {  	_ =	strace $0x8FFFFFFF  }
0x99: {  	s19 =	sld [smem:$0x3FDB];
	_ =	sdelay $0x1  }
0x9a: {  	s5 =	simm.s32 $_scs_section_size  }
0x9b: {  	s6 =	simm.s32 $_size__tile_overlayer_lowered;
	s7 =	simm.s32 $_tile_overlayer_lowered  }
0x9c: {  	s22 =	simm.s32 $0x1BFF;
	s21 =	sshll.u32 s7, $0x1;
	s4 =	sadd.s32 s5, s19  }
0x9d: {  	s8 =	simm.s32 $0x0;
	s20 =	sshll.u32 s6, $0x1;
	s6 =	sadd.s32 s21, s4  }
0x9e: {  	[timem:s8], [sflag:s22] =	dma.local [hbm:s6], s20  }
0x9f: {  	_ =	swait.ge [sflag:s22], s20  }
0xa0: {  	s5 =	ssub.s32 $0x0, s20;
	[sflag:s22] =	ssyncset.done $0x0  }
0xa1: {  	[sflag:s22] =	ssyncadd.s32 s5;
	_ =	sdelay $0x1  }
0xa2: {  	s23 =	simm.s32 $0x1B8B  }
0xa3: {  	_ =	swait.ge [sflag:s23], $0x1  }
0xa4: {  	[sflag:s23] =	ssyncset.done $0x0  }
0xa5: {  	s25 =	simm.s32 $0x1B8E;
	s24 =	sld [smem:$0x3FFE];
	[sflag:s23] =	ssyncadd.s32 $0xFFFFFFFF  }
0xa6: {  	s26 =	simm.s32 $execute0_lowered;
	[smem:$0x3FD2] =	sst s25  }
0xa7: {  	s6 =	sshll.u32 s26, $0x1;
	_ =	strace $0x80000046;
	[dreg:$0x1] =	wrdreg $0xFFFFFFFF  }
0xa8: {  	s28 =	simm.s32 $_size_execute0_lowered;
	s4 =	sadd.s32 s4, s6;
	[dreg:$0x0] =	wrdreg $0x0  }
0xa9: {  	s6 =	sshll.u32 s28, $0x1;
	[dreg:$0x2] =	wrdreg s4  }
0xaa: {  	[dreg:$0x3] =	wrdreg s6  }
0xab: {  	[dreg:$0x4] =	wrdreg $0xC0  }
0xac: {  	_ =	task [dreg:s8], $0x5FFFF  }
0xad: {  	[dreg:$0x1] =	wrdreg $0xFFFFFFFF  }
0xae: {  	[dreg:$0x0] =	wrdreg $0x60  }
0xaf: {  	[dreg:$0x2] =	wrdreg s18  }
0xb0: {  	[dreg:$0x3] =	wrdreg s2  }
0xb1: {  	[dreg:$0x4] =	wrdreg s24  }
0xb2: {  	[dreg:$0x5] =	wrdreg $0x9  }
0xb3: {  	_ =	task.clear_ibuf [dreg:s8], $0x6FFFF;
	_ =	strace $0x90000046  }
0xb4: {  	s29 =	simm.s32 $0x9;
	_ =	strace $0x80000048  }
0xb5: {  	_ =	swait.ge [sflag:s29], $0x1  }
0xb6: {  	[sflag:s29] =	ssyncadd.s32 $0xFFFFFFFF  }
0xb7: {  	_ =	strace $0x90000048  }
0xb8: {  	_ =	sfence  }
0xb9: {  	s30 =	sld [smem:$0x0];
	_ =	sdelay $0x2  }
0xba: {  	s31 =	sshll.u32 s1, $0xD;
	s1 =	sshrl.u32 s1, $0x2  }
0xbb: {  	s3 =	sand.u32 $0x4000, s31;
	s1 =	sadd.s32 s1, s30  }
0xbc: {  	s0 =	sor.u32 s3, s0;
	s1 =	sshll.u32 s1, $0x11  }
0xbd: {  	s0 =	sor.u32 s1, s0  }
0xbe: {  	s0 =	sadd.s32 $0x8F2B, s0  }
0xbf: {  	[sflag:s0] =	ssyncadd.remote.s32 $0x1  }
0xc0: {  	_ =	sfence.sel $0xFFFF  }
0xc1: {  	[dreg:$0x0] =	wrdreg $0xFFFFFFFF;
	(pc) =	sbr.abs _section_cstart, $3  }
0xc2: {  	[dreg:$0x1] =	wrdreg $0xFFFFFFFF  }
0xc3: {  	_ =	task.clear_ibuf [dreg:s8], $0x2FFFF;
	_ =	strace $0x9FFFFFFF  }
0xc4: {  	(tm) =	ssettm $0x7FFFFFFF  }
0xc5: {  	_ =	shalt  }
tec
execute0_lowered:
.L_overlay_start_1:
0x0: {  	(tag) =	ssettag $0x1  }
0x1: {  	s6 =	rddreg [dreg:$0x0]  }
0x2: {  	s1 =	rddreg [dreg:$0x1]  }
0x3: {  	s4 =	rddreg [dreg:$0x2];
	s3 =	simm.s32 $0x0;
	s5 =	srdreg.scid  }
0x4: {  	s0 =	stileid.u32;
	s12 =	simm.s32 $0x5C00;
	s13 =	simm.s32 $0x100  }
0x5: {  	s14 =	simm.s32 $0x7800;
	s15 =	simm.s32 $0x180;
	s16 =	simm.s32 $0x9400  }
0x6: {  	s17 =	simm.s32 $0x200;
	s18 =	simm.s32 $0xB000;
	s19 =	simm.s32 $0x280  }
0x7: {  	s20 =	simm.s32 $0xCC00;
	s21 =	simm.s32 $0x300;
	s22 =	simm.s32 $0xE800  }
0x8: {  	s23 =	simm.s32 $0x380;
	s24 =	simm.s32 $0x10400;
	s25 =	simm.s32 $0x1  }
0x9: {  	s26 =	simm.s32 $0x2;
	s28 =	simm.s32 $0x0;
	[smem:$0x7FF] =	sst s3  }
.Ltmp0:
0xa: {  	s5 =	sand.u32 $0x1, s5;
	s7 =	sshll.u32 s0, $0x1;
	(pc) =	sbr.rel .LBB2_1-.Ltmp0, $4  }
0xb: {  	s4 =	sadd.s32 $0x400, s4;
	s8 =	ssub.s32 $0x2, s5;
	s5 =	sor.u32 s5, s7  }
0xc: {  	_ =	strace $0x80000047;
	s31 =	sshrl.u32 s8, $0x1;
	s9 =	sshll.u32 s5, $0xB  }
0xd: {  	s5 =	sshll.u32 s5, $0x7;
	s7 =	ssub.s32 s8, s31;
	s6 =	sadd.s32 s6, s9  }
0xe: {  	s8 =	simm.s32 $0x3;
	s9 =	simm.s32 $0x32;
	s7 =	smax.u32 s7, $0x1  }
.LBB2_5:
0xf: {  	s28 =	sadd.s32 $0x1, s28  }
0x10: {  	p0 =	sne.s32 s28, s7  }
.Ltmp1:
0x11: {  	_ = 	snop;
	(pc) =	sbr.rel @!p0 .LBB2_6-.Ltmp1, $4  }
0x12: {  	_ = 	snop  }
0x13: {  	_ =	swait.ge [sflag:s26], $0xC800  }
0x14: {  	[sflag:s26] =	ssyncset.done $0x0  }
0x15: {  	[sflag:s26] =	ssyncadd.s32 $0xFFFF3800  }
.LBB2_1:
0x16: {  	[tilespmem:s3], [sflag:$0x3] =	stream.linear.gather [hbm4b:s6+s3], $0x4000, $0x38;
	v63 =	vld [tilespmem:$0x0]  }
0x17: {  	_ =	swait.ge [sflag:s8], $0x4000  }
0x18: {  	[sflag:s8] =	ssyncset.done $0x0  }
0x19: {  	s0 =	simm.s32 $0x4000;
	[sflag:s8] =	ssyncadd.s32 $0xFFFFC000  }
0x1a: {  	[tilespmem:s0], [sflag:$0x1] =	stream.indirect.gather [hbm4b:s1+s9], $0x80, s3, s9, $0xb8;
	v63 =	vld [tilespmem:$0x0]  }
0x1b: {  	s31 =	simm.s32 $0x80  }
0x1c: {  	[tilespmem:s12], [sflag:$0x1] =	stream.indirect.gather [hbm4b:s1+s9], $0x80, s31, s9, $0xb8;
	v63 =	vld [tilespmem:$0x0]  }
0x1d: {  	_ = 	snop  }
0x1e: {  	[tilespmem:s14], [sflag:$0x1] =	stream.indirect.gather [hbm4b:s1+s9], $0x80, s13, s9, $0xb8;
	v63 =	vld [tilespmem:$0x0]  }
0x1f: {  	_ = 	snop  }
0x20: {  	[tilespmem:s16], [sflag:$0x1] =	stream.indirect.gather [hbm4b:s1+s9], $0x80, s15, s9, $0xb8;
	v63 =	vld [tilespmem:$0x0]  }
0x21: {  	_ = 	snop  }
0x22: {  	[tilespmem:s18], [sflag:$0x1] =	stream.indirect.gather [hbm4b:s1+s9], $0x80, s17, s9, $0xb8;
	v63 =	vld [tilespmem:$0x0]  }
0x23: {  	_ = 	snop  }
0x24: {  	[tilespmem:s20], [sflag:$0x1] =	stream.indirect.gather [hbm4b:s1+s9], $0x80, s19, s9, $0xb8;
	v63 =	vld [tilespmem:$0x0]  }
.Ltmp2:
0x25: {  	_ = 	snop;
	(pc) =	sbr.rel .LBB2_2-.Ltmp2, $4  }
0x26: {  	_ = 	snop  }
0x27: {  	[tilespmem:s22], [sflag:$0x1] =	stream.indirect.gather [hbm4b:s1+s9], $0x80, s21, s9, $0xb8;
	v63 =	vld [tilespmem:$0x0]  }
0x28: {  	s30 =	simm.s32 $0x0  }
0x29: {  	[tilespmem:s24], [sflag:$0x1] =	stream.indirect.gather [hbm4b:s1+s9], $0x80, s23, s9, $0xb8;
	v63 =	vld [tilespmem:$0x0]  }
.LBB2_4:
0x2a: {  	s0 =	sshll.u32 s30, $0x3  }
0x2b: {  	s2 =	smul.u32 $0x38000, s31;
	s0 =	sor.u32 s5, s0  }
0x2c: {  	s0 =	smul.u32 $0x380, s0  }
0x2d: {  	s2 =	sshrl.u32 s2, $0x2  }
0x2e: {  	s10 =	sadd.s32 $0x4000, s2;
	s0 =	sadd.s32 s4, s0  }
0x2f: {  	[hbm4b:s0+s3] =	stream.linear.scatter [tilespmem:s10], [sflag:$0x2], $0x1900, $0x38;
	v63 =	vld [tilespmem:$0x0]  }
0x30: {  	s31 =	sadd.s32 $0x5C00, s2;
	s11 =	sadd.s32 $0x380, s0  }
0x31: {  	[hbm4b:s11+s3] =	stream.linear.scatter [tilespmem:s31], [sflag:$0x2], $0x1900, $0x38;
	v63 =	vld [tilespmem:$0x0]  }
0x32: {  	s11 =	sadd.s32 $0x7800, s2;
	s31 =	sadd.s32 $0x700, s0  }
0x33: {  	[hbm4b:s31+s3] =	stream.linear.scatter [tilespmem:s11], [sflag:$0x2], $0x1900, $0x38;
	v63 =	vld [tilespmem:$0x0]  }
0x34: {  	s11 =	sadd.s32 $0x9400, s2;
	s31 =	sadd.s32 $0xA80, s0  }
0x35: {  	[hbm4b:s31+s3] =	stream.linear.scatter [tilespmem:s11], [sflag:$0x2], $0x1900, $0x38;
	v63 =	vld [tilespmem:$0x0]  }
0x36: {  	s11 =	sadd.s32 $0xB000, s2;
	s31 =	sadd.s32 $0xE00, s0  }
0x37: {  	[hbm4b:s31+s3] =	stream.linear.scatter [tilespmem:s11], [sflag:$0x2], $0x1900, $0x38;
	v63 =	vld [tilespmem:$0x0]  }
0x38: {  	p0 =	slt.u32 s29, $0x10;
	s11 =	sadd.s32 $0xCC00, s2;
	s31 =	sadd.s32 $0x1180, s0  }
0x39: {  	[hbm4b:s31+s3] =	stream.linear.scatter [tilespmem:s11], [sflag:$0x2], $0x1900, $0x38;
	v63 =	vld [tilespmem:$0x0]  }
.Ltmp3:
0x3a: {  	_ = 	snop;
	(pc) =	sbr.rel @!p0 .LBB2_5-.Ltmp3, $4  }
0x3b: {  	s11 =	sadd.s32 $0xE800, s2;
	s31 =	sadd.s32 $0x1500, s0  }
0x3c: {  	[hbm4b:s31+s3] =	stream.linear.scatter [tilespmem:s11], [sflag:$0x2], $0x1900, $0x38;
	v63 =	vld [tilespmem:$0x0]  }
0x3d: {  	s30 =	smov.u32 s29;
	s2 =	sadd.s32 $0x10400, s2;
	s0 =	sadd.s32 $0x1880, s0  }
0x3e: {  	[hbm4b:s0+s3] =	stream.linear.scatter [tilespmem:s2], [sflag:$0x2], $0x1900, $0x38;
	v63 =	vld [tilespmem:$0x0]  }
.LBB2_2:
0x3f: {  	p0 =	seq.s32 s30, $0x0  }
0x40: {  	p1 =	seq.s32 @!p0 s30, $0xF  }
0x41: {  	_ =	swait.ge [sflag:s25], $0xC800;
	p1 =	por p0, !p1  }
.Ltmp4:
0x42: {  	[sflag:s25] =	ssyncset.done $0x0;
	(pc) =	sbr.rel @!p1 .LBB2_4-.Ltmp4, $4  }
0x43: {  	s29 =	simm.s32 @!p0 $0x2;
	[sflag:s25] =	ssyncadd.s32 $0xFFFF3800  }
0x44: {  	_ =	swait.ge @!p0 [sflag:s29], $0xC800  }
0x45: {  	[sflag:s29] =	ssyncset.done @!p0 $0x0  }
0x46: {  	s31 =	sand.u32 $0x1, s30;
	[sflag:s29] =	ssyncadd.s32 @!p0 $0xFFFF3800;
	s29 =	simm.s32 @!p0 $0x10  }
0x47: {  	s0 =	sxor.u32 $0x1, s31  }
0x48: {  	s29 =	sadd.s32 @!p0 $0x1, s30;
	s0 =	smul.u32 $0x38000, s0  }
0x49: {  	s29 =	simm.s32 @p0 $0x1  }
0x4a: {  	s2 =	sshll.u32 s29, $0xA;
	s0 =	sshrl.u32 s0, $0x2  }
0x4b: {  	s2 =	sand.u32 $0x3FFFFC00, s2;
	s10 =	sadd.s32 $0x4000, s0  }
0x4c: {  	[tilespmem:s10], [sflag:$0x1] =	stream.indirect.gather [hbm4b:s1+s9], $0x80, s2, s9, $0xb8;
	v63 =	vld [tilespmem:$0x0]  }
0x4d: {  	s11 =	sor.u32 $0x80, s2;
	s10 =	sadd.s32 $0x5C00, s0  }
0x4e: {  	[tilespmem:s10], [sflag:$0x1] =	stream.indirect.gather [hbm4b:s1+s9], $0x80, s11, s9, $0xb8;
	v63 =	vld [tilespmem:$0x0]  }
0x4f: {  	s10 =	sadd.s32 $0x7800, s0;
	s11 =	sor.u32 $0x100, s2  }
0x50: {  	[tilespmem:s10], [sflag:$0x1] =	stream.indirect.gather [hbm4b:s1+s9], $0x80, s11, s9, $0xb8;
	v63 =	vld [tilespmem:$0x0]  }
0x51: {  	s10 =	sadd.s32 $0x9400, s0;
	s11 =	sor.u32 $0x180, s2  }
0x52: {  	[tilespmem:s10], [sflag:$0x1] =	stream.indirect.gather [hbm4b:s1+s9], $0x80, s11, s9, $0xb8;
	v63 =	vld [tilespmem:$0x0]  }
0x53: {  	s10 =	sadd.s32 $0xB000, s0;
	s11 =	sor.u32 $0x200, s2  }
0x54: {  	[tilespmem:s10], [sflag:$0x1] =	stream.indirect.gather [hbm4b:s1+s9], $0x80, s11, s9, $0xb8;
	v63 =	vld [tilespmem:$0x0]  }
0x55: {  	s10 =	sadd.s32 $0xCC00, s0;
	s11 =	sor.u32 $0x280, s2  }
0x56: {  	[tilespmem:s10], [sflag:$0x1] =	stream.indirect.gather [hbm4b:s1+s9], $0x80, s11, s9, $0xb8;
	v63 =	vld [tilespmem:$0x0]  }
.Ltmp5:
0x57: {  	_ = 	snop;
	(pc) =	sbr.rel .LBB2_4-.Ltmp5, $4  }
0x58: {  	s10 =	sadd.s32 $0xE800, s0;
	s11 =	sor.u32 $0x300, s2  }
0x59: {  	[tilespmem:s10], [sflag:$0x1] =	stream.indirect.gather [hbm4b:s1+s9], $0x80, s11, s9, $0xb8;
	v63 =	vld [tilespmem:$0x0]  }
0x5a: {  	s0 =	sor.u32 $0x10400, s0;
	s2 =	sor.u32 $0x380, s2  }
0x5b: {  	[tilespmem:s0], [sflag:$0x1] =	stream.indirect.gather [hbm4b:s1+s9], $0x80, s2, s9, $0xb8;
	v63 =	vld [tilespmem:$0x0]  }
.LBB2_6:
0x5c: {  	_ =	sfence.sel $0x180000  }
0x5d: {  	[bflag:$0x0] =	sbarrier.arrive $0xFFFF  }
0x5e: {  	_ =	strace $0x90000047  }
0x5f: {  	s0 =	stileid.u32;
	[bflag:$0x2] =	sbarrier.arrive $0xFFFF  }
0x60: {  	p0 =	sne.s32 s0, $0x0;
	s0 =	rddreg [dreg:$0x3]  }
0x61: {  	s0 =	sadd.s32 @!p0 $0x100000, s0  }
0x62: {  	[sflag:s0] =	ssyncadd.tile.s32 @!p0 $0x1;
	_ =	shalt  }
.Lfunc_end2:
_tile_overlayer_lowered:
.L_overlay_start_2:
0x63: {  	(tag) =	ssettag $0x2  }
0x64: {  	s0 =	rddreg [dreg:$0x0];
	s2 =	stileid.u32  }
0x65: {  	s1 =	rddreg [dreg:$0x1];
	p0 =	sne.s32 s2, $0x0  }
0x66: {  	s3 =	rddreg [dreg:$0x2];
	[bflag:$0x3] =	sbarrier.arrive $0xFFFF;
	s2 =	simm.s32 @!p0 $0x1C03  }
0x67: {  	[timem:s3], [sflag:s2] =	dma.local @!p0 [hbm:s0], s1  }
0x68: {  	s0 =	simm.s32 @!p0 $0x3  }
0x69: {  	_ =	swait.ge @!p0 [sflag:s0], s1  }
0x6a: {  	s1 =	ssub.s32 @!p0 $0x0, s1;
	[sflag:s0] =	ssyncset.done @!p0 $0x0  }
0x6b: {  	[sflag:s0] =	ssyncadd.s32 @!p0 s1  }
0x6c: {  	[bflag:$0x3] =	sbarrier.arrive $0xFFFF  }
0x6d: {  	_ =	shalt  }

</sc_bundles>
